<compile_context>
chip_gen: v7x
topology: tpu7x:2x2x1
jax: 0.10.2.dev20260603
libtpu: 0.0.44.dev20260713+nightly
codegen_flags: <defaults>
</compile_context>

<pallas_src>
import functools

import jax
import jax.numpy as jnp
from jax import lax
from jax.experimental import pallas as pl
from jax.experimental.pallas import tpu as pltpu
from jax.experimental.pallas import tpu_sc as plsc

_G = 512
_BLK = 10000
_SPAN = 128

_CH = 80
_NW = 32
_NCHUNK = 100000 // _CH
_ITERS = (_NCHUNK + _NW - 1) // _NW


def _score_body(seg_ref, z_ref, w_ref, out_ref, acc_ref, m_ref, d_ref):
    i = pl.program_id(0)
    nb = pl.num_programs(0)

    @pl.when(i == 0)
    def _():
        acc_ref[...] = jnp.zeros_like(acc_ref)
        m_ref[...] = jnp.full_like(m_ref, -1e30)
        d_ref[...] = jnp.zeros_like(d_ref)

    z = z_ref[...]
    w = w_ref[...]
    s = jax.lax.dot_general(w, z, (((1,), (1,)), ((), ())),
                            preferred_element_type=jnp.float32)
    lm = jnp.max(s, axis=1, keepdims=True)
    m_old = m_ref[...]
    m_new = jnp.maximum(m_old, lm)
    scale = jnp.exp(m_old - m_new)
    e = jnp.exp(s - m_new)

    seg = seg_ref[0]

    @pl.when(lm[0, 0] > m_old[0, 0])
    def _():
        acc_ref[...] = acc_ref[...] * scale

    d_ref[...] = d_ref[...] * scale + jnp.sum(e, keepdims=True)
    m_ref[...] = m_new

    smin = jnp.min(seg)
    smax = jnp.max(seg)
    s0 = jnp.minimum((smin // 8) * 8, _G - _SPAN)
    fast = (smax - s0) < _SPAN
    zb = z.astype(jnp.bfloat16)
    eb = e.astype(jnp.bfloat16)

    @pl.when(fast)
    def _():
        hit = (jax.lax.broadcasted_iota(jnp.int32, (_SPAN, _BLK), 0)
               == (seg - s0))
        wih = hit.astype(jnp.bfloat16) * eb
        acc_ref[pl.ds(s0, _SPAN), :] += jax.lax.dot_general(
            wih, zb, (((1,), (0,)), ((), ())),
            preferred_element_type=jnp.float32)

    @pl.when(jnp.logical_not(fast))
    def _():
        hit = (jax.lax.broadcasted_iota(jnp.int32, (_G, _BLK), 0)
               == seg)
        wih = hit.astype(jnp.bfloat16) * eb
        acc_ref[...] += jax.lax.dot_general(
            wih, zb, (((1,), (0,)), ((), ())),
            preferred_element_type=jnp.float32)

    @pl.when(i == nb - 1)
    def _():
        out_ref[...] = acc_ref[...] / d_ref[...]


def _run_scores(z, seg3, w):
    n, d = z.shape
    nb = n // _BLK
    return pl.pallas_call(
        _score_body,
        grid=(nb,),
        in_specs=[
            pl.BlockSpec((1, 1, _BLK), lambda i: (i, 0, 0)),
            pl.BlockSpec((_BLK, d), lambda i: (i, 0)),
            pl.BlockSpec((1, d), lambda i: (0, 0)),
        ],
        out_specs=pl.BlockSpec((_G, d), lambda i: (0, 0)),
        out_shape=jax.ShapeDtypeStruct((_G, d), jnp.float32),
        scratch_shapes=[
            pltpu.VMEM((_G, d), jnp.float32),
            pltpu.VMEM((1, 1), jnp.float32),
            pltpu.VMEM((1, 1), jnp.float32),
        ],
    )(seg3, z, w)


@functools.partial(
    pl.kernel,
    out_type=jax.ShapeDtypeStruct((2, _G, 128), jnp.float32),
    mesh=plsc.VectorSubcoreMesh(core_axis_name="c", subcore_axis_name="s"),
    scratch_types=[
        pltpu.VMEM((_CH,), jnp.int32),
        pltpu.VMEM((_CH, 128), jnp.float32),
        pltpu.VMEM_SHARED((_G, 128), jnp.float32),
    ],
)
def _sc_counts(seg_hbm, ones_hbm, zeros_hbm, cnt_out, segbuf, onesbuf, cnt_sp):
    cid = lax.axis_index("c")
    sid = lax.axis_index("s")
    wid = sid * 2 + cid
    pltpu.sync_copy(ones_hbm, onesbuf)

    @pl.when(sid == 0)
    def _():
        pltpu.sync_copy(zeros_hbm, cnt_sp)

    plsc.subcore_barrier()

    def _chunk(it, carry):
        chunk = it * _NW + wid

        @pl.when(chunk < _NCHUNK)
        def _():
            base = chunk * _CH
            pltpu.sync_copy(seg_hbm.at[pl.ds(base, _CH)], segbuf)
            pltpu.sync_copy(onesbuf, cnt_sp.at[segbuf], add=True)

        return carry

    lax.fori_loop(0, _ITERS, _chunk, 0)
    plsc.subcore_barrier()

    rows = _G // 16
    pltpu.sync_copy(cnt_sp.at[pl.ds(sid * rows, rows)],
                    cnt_out.at[cid, pl.ds(sid * rows, rows)])


def _comb_body(acc_ref, cnt_ref, out_ref):
    c = cnt_ref[0, :, 0:1] + cnt_ref[1, :, 0:1]
    out_ref[...] = acc_ref[...] / jnp.maximum(c, 1.0)


def _combine(accd, cnt2):
    g, d = accd.shape
    return pl.pallas_call(
        _comb_body,
        in_specs=[
            pl.BlockSpec((g, d), lambda: (0, 0)),
            pl.BlockSpec((2, g, 128), lambda: (0, 0, 0)),
        ],
        out_specs=pl.BlockSpec((g, d), lambda: (0, 0)),
        out_shape=jax.ShapeDtypeStruct((g, d), jnp.float32),
    )(accd, cnt2)


@jax.jit
def _run(z, seg, seg3, w):
    accd = _run_scores(z, seg3, w)
    ones = jnp.ones((_CH, 128), jnp.float32)
    zeros = jnp.zeros((_G, 128), jnp.float32)
    cnt2 = _sc_counts(seg, ones, zeros)
    return _combine(accd, cnt2)


def kernel(z, batch_index, W, b):
    n, _ = z.shape
    seg = batch_index.astype(jnp.int32)
    seg3 = seg.reshape(n // _BLK, 1, _BLK)
    return _run(z, seg, seg3, W)

# --- scband reference (transcript-rebuilt; emitter-appended) ---
"""Pipeline reference for scband-global-attention-pooling-56839597195672 (READ-ONLY COPY).

The authoritative reference and input builder live on the scoring server;
editing this copy changes nothing except your own understanding.
"""

import jax, jax.numpy as jnp
import numpy as np

N = 100000
D = 128
G = 512  # number of graphs (segments) in the batch


def setup_inputs(seed: int = 0) -> dict:
    key = jax.random.key(seed)
    k1, k2, k3 = jax.random.split(key, 3)
    z = jax.random.normal(k1, (N, D), dtype=jnp.float32)
    batch_index = jnp.sort(jax.random.randint(k2, (N,), 0, G)).astype(jnp.int64)
    # attention = nn.Linear(D, 1) with xavier_uniform weight, zero bias
    limit = float(np.sqrt(6.0 / (D + 1)))
    W = jax.random.uniform(k3, (1, D), dtype=jnp.float32, minval=-limit, maxval=limit)
    b = jnp.zeros((1,), dtype=jnp.float32)
    return {"z": z, "batch_index": batch_index, "W": W, "b": b}


def reference(z, batch_index, W, b):
    # scores = self.attention(z)  -> [N, 1]
    scores = z @ W.T + b
    # scores = scores - scores.max(dim=0, keepdim=True)[0]
    scores = scores - jnp.max(scores, axis=0, keepdims=True)
    # weights = softmax over all nodes (dim=0)
    weights = jax.nn.softmax(scores, axis=0)
    # pooled = scatter(weights * z, batch_index, dim=0, reduce='mean')
    vals = weights * z
    seg = batch_index.astype(jnp.int32)
    sums = jax.ops.segment_sum(vals, seg, num_segments=G)
    counts = jax.ops.segment_sum(jnp.ones((N,), dtype=jnp.float32), seg, num_segments=G)
    pooled = sums / jnp.maximum(counts, 1.0)[:, None]
    return pooled

if __name__ == "__main__":
    import jax
    _d = setup_inputs()
    print(jax.jit(kernel)(*tuple(_d.values())))

</pallas_src>

<mosaic_0001>
#map = affine_map<(d0, d1) -> (0)>
#map1 = affine_map<(d0, d1) -> (0, 0)>
#map2 = affine_map<(d0, d1) -> (0, 0, 0)>
module attributes {stable_mosaic.version = 14 : i64} {
  func.func @_sc_counts(%arg0: i32, %arg1: i32, %arg2: memref<100000xi32, #tpu.memory_space<hbm>>, %arg3: memref<80x128xf32, #tpu.memory_space<hbm>>, %arg4: memref<512x128xf32, #tpu.memory_space<hbm>>, %arg5: memref<2x512x128xf32, #tpu.memory_space<hbm>>, %arg6: memref<80xi32, #tpu.memory_space<vmem>>, %arg7: memref<80x128xf32, #tpu.memory_space<vmem>>, %arg8: memref<512x128xf32, #tpu.memory_space<vmem_shared>>) attributes {dimension_semantics = [#tpu.dimension_semantics<core_parallel>, #tpu.dimension_semantics<subcore_parallel>], iteration_bounds = array<i64: 2, 16>, scalar_prefetch = 0 : i64, scratch_operands = 3 : i64, tpu.core_type = #tpu.core_type<sc_vector_subcore>, window_params = [{transform_indices = #map}, {transform_indices = #map1}, {transform_indices = #map1}, {transform_indices = #map2}]} {
    %mul3A = arith.constant 2 : i32
    %mul3A_0 = arith.muli %arg1, %mul3A : i32
    %add3A = arith.addi %mul3A_0, %arg0 : i32
    "tpu.region"() ({
      %run_scoped3A = tpu.sem_alloc : memref<!tpu.dma_semaphore, #tpu.memory_space<semaphore_mem>>
      tpu.enqueue_dma source(%arg3 : memref<80x128xf32, #tpu.memory_space<hbm>>) target(%arg7 : memref<80x128xf32, #tpu.memory_space<vmem>>) target_semaphore(%run_scoped3A : memref<!tpu.dma_semaphore, #tpu.memory_space<semaphore_mem>>)
      tpu.wait_dma2 semaphore(%run_scoped3A : memref<!tpu.dma_semaphore, #tpu.memory_space<semaphore_mem>>) src(%arg3 : memref<80x128xf32, #tpu.memory_space<hbm>>) dst(%arg7 : memref<80x128xf32, #tpu.memory_space<vmem>>)
      tpu.yield
    }) : () -> ()
    %eq3A = arith.constant 0 : i32
    %eq3A_1 = arith.cmpi eq, %arg1, %eq3A : i32
    %convert_element_type3A = arith.extui %eq3A_1 : i1 to i32
    %cond3A = arith.constant 0 : i32
    %cond3A_2 = arith.cmpi ne, %convert_element_type3A, %cond3A : i32
    scf.if %cond3A_2 {
      "tpu.region"() ({
        %run_scoped3A = tpu.sem_alloc : memref<!tpu.dma_semaphore, #tpu.memory_space<semaphore_mem>>
        tpu.enqueue_dma source(%arg4 : memref<512x128xf32, #tpu.memory_space<hbm>>) target(%arg8 : memref<512x128xf32, #tpu.memory_space<vmem_shared>>) target_semaphore(%run_scoped3A : memref<!tpu.dma_semaphore, #tpu.memory_space<semaphore_mem>>)
        tpu.wait_dma2 semaphore(%run_scoped3A : memref<!tpu.dma_semaphore, #tpu.memory_space<semaphore_mem>>) src(%arg4 : memref<512x128xf32, #tpu.memory_space<hbm>>) dst(%arg8 : memref<512x128xf32, #tpu.memory_space<vmem_shared>>)
        tpu.yield
      }) : () -> ()
    } else {
    }
    %barrier3A = arith.constant 0 : index
    tpu.barrier barrier_id(%barrier3A)
    %scan3A = arith.constant 0 : i32
    %scan3A_3 = arith.constant 0 : i32
    %scan3A_4 = arith.constant 40 : i32
    %scan3A_5 = arith.addi %scan3A_3, %scan3A_4 : i32
    %scan3A_6 = arith.constant 1 : i32
    scf.for %scan3A_13 = %scan3A_3 to %scan3A_5 step %scan3A_6  : i32 {
      %mul3A_14 = arith.constant 32 : i32
      %mul3A_15 = arith.muli %scan3A_13, %mul3A_14 : i32
      %add3A_16 = arith.addi %mul3A_15, %add3A : i32
      %lt3A = arith.constant 1250 : i32
      %lt3A_17 = arith.cmpi slt, %add3A_16, %lt3A : i32
      %convert_element_type3A_18 = arith.extui %lt3A_17 : i1 to i32
      %cond3A_19 = arith.constant 0 : i32
      %cond3A_20 = arith.cmpi ne, %convert_element_type3A_18, %cond3A_19 : i32
      scf.if %cond3A_20 {
        %mul3A_21 = arith.constant 80 : i32
        %mul3A_22 = arith.muli %add3A_16, %mul3A_21 : i32
        "tpu.region"() ({
          %run_scoped3A = tpu.sem_alloc : memref<!tpu.dma_semaphore, #tpu.memory_space<semaphore_mem>>
          %dma_start3A = tpu.memref_slice %arg2[%mul3A_22] : memref<100000xi32, #tpu.memory_space<hbm>> -> memref<80xi32, #tpu.memory_space<hbm>>
          %dma_start3A_23 = tpu.memref_slice %arg2[%mul3A_22] : memref<100000xi32, #tpu.memory_space<hbm>> -> memref<80xi32, #tpu.memory_space<hbm>>
          tpu.enqueue_dma source(%dma_start3A_23 : memref<80xi32, #tpu.memory_space<hbm>>) target(%arg6 : memref<80xi32, #tpu.memory_space<vmem>>) target_semaphore(%run_scoped3A : memref<!tpu.dma_semaphore, #tpu.memory_space<semaphore_mem>>)
          %dma_wait3A = tpu.memref_slice %arg2[%mul3A_22] : memref<100000xi32, #tpu.memory_space<hbm>> -> memref<80xi32, #tpu.memory_space<hbm>>
          %dma_wait3A_24 = tpu.memref_slice %arg2[%mul3A_22] : memref<100000xi32, #tpu.memory_space<hbm>> -> memref<80xi32, #tpu.memory_space<hbm>>
          tpu.wait_dma2 semaphore(%run_scoped3A : memref<!tpu.dma_semaphore, #tpu.memory_space<semaphore_mem>>) src(%dma_wait3A_24 : memref<80xi32, #tpu.memory_space<hbm>>) dst(%arg6 : memref<80xi32, #tpu.memory_space<vmem>>)
          tpu.yield
        }) : () -> ()
        "tpu.region"() ({
          %run_scoped3A = tpu.sem_alloc : memref<!tpu.dma_semaphore, #tpu.memory_space<semaphore_mem>>
          %dma_start3A = arith.constant 0 : i32
          %dma_start3A_23 = arith.constant 0 : i32
          %dma_start3A_24 = tpu.memref_slice %arg8[%dma_start3A, %dma_start3A_23] : memref<512x128xf32, #tpu.memory_space<vmem_shared>> -> memref<512x128xf32, #tpu.memory_space<vmem_shared>>
          tpu.enqueue_indirect_dma source(%arg7 : memref<80x128xf32, #tpu.memory_space<vmem>>) target(%dma_start3A_24 : memref<512x128xf32, #tpu.memory_space<vmem_shared>>) offsets(%arg6 : memref<80xi32, #tpu.memory_space<vmem>>) semaphore(%run_scoped3A : memref<!tpu.dma_semaphore, #tpu.memory_space<semaphore_mem>>) {add = true}
          %dma_wait3A = arith.constant 0 : i32
          %dma_wait3A_25 = arith.constant 0 : i32
          %dma_wait3A_26 = tpu.memref_slice %arg8[%dma_wait3A, %dma_wait3A_25] : memref<512x128xf32, #tpu.memory_space<vmem_shared>> -> memref<512x128xf32, #tpu.memory_space<vmem_shared>>
          tpu.wait_indirect_dma semaphore(%run_scoped3A : memref<!tpu.dma_semaphore, #tpu.memory_space<semaphore_mem>>) src(%arg7 : memref<80x128xf32, #tpu.memory_space<vmem>>) dst(%dma_wait3A_26 : memref<512x128xf32, #tpu.memory_space<vmem_shared>>)
          tpu.yield
        }) : () -> ()
      } else {
      }
    }
    %scan3A_7 = arith.constant 40 : i32
    %barrier3A_8 = arith.constant 0 : index
    tpu.barrier barrier_id(%barrier3A_8)
    %mul3A_9 = arith.constant 32 : i32
    %mul3A_10 = arith.muli %arg1, %mul3A_9 : i32
    %mul3A_11 = arith.constant 32 : i32
    %mul3A_12 = arith.muli %arg1, %mul3A_11 : i32
    "tpu.region"() ({
      %run_scoped3A = tpu.sem_alloc : memref<!tpu.dma_semaphore, #tpu.memory_space<semaphore_mem>>
      %dma_start3A = arith.constant 0 : i32
      %dma_start3A_13 = tpu.memref_slice %arg5[%arg0, %mul3A_12, %dma_start3A] : memref<2x512x128xf32, #tpu.memory_space<hbm>> -> memref<1x32x128xf32, #tpu.memory_space<hbm>>
      %dma_start3A_14 = tpu.memref_squeeze %dma_start3A_13 : memref<1x32x128xf32, #tpu.memory_space<hbm>> -> memref<32x128xf32, #tpu.memory_space<hbm>>
      %dma_start3A_15 = arith.constant 0 : i32
      %dma_start3A_16 = tpu.memref_slice %arg8[%mul3A_10, %dma_start3A_15] : memref<512x128xf32, #tpu.memory_space<vmem_shared>> -> memref<32x128xf32, #tpu.memory_space<vmem_shared>>
      tpu.enqueue_dma source(%dma_start3A_16 : memref<32x128xf32, #tpu.memory_space<vmem_shared>>) target(%dma_start3A_14 : memref<32x128xf32, #tpu.memory_space<hbm>>) target_semaphore(%run_scoped3A : memref<!tpu.dma_semaphore, #tpu.memory_space<semaphore_mem>>)
      %dma_wait3A = arith.constant 0 : i32
      %dma_wait3A_17 = tpu.memref_slice %arg5[%arg0, %mul3A_12, %dma_wait3A] : memref<2x512x128xf32, #tpu.memory_space<hbm>> -> memref<1x32x128xf32, #tpu.memory_space<hbm>>
      %dma_wait3A_18 = tpu.memref_squeeze %dma_wait3A_17 : memref<1x32x128xf32, #tpu.memory_space<hbm>> -> memref<32x128xf32, #tpu.memory_space<hbm>>
      %dma_wait3A_19 = arith.constant 0 : i32
      %dma_wait3A_20 = tpu.memref_slice %arg8[%mul3A_10, %dma_wait3A_19] : memref<512x128xf32, #tpu.memory_space<vmem_shared>> -> memref<32x128xf32, #tpu.memory_space<vmem_shared>>
      tpu.wait_dma2 semaphore(%run_scoped3A : memref<!tpu.dma_semaphore, #tpu.memory_space<semaphore_mem>>) src(%dma_wait3A_20 : memref<32x128xf32, #tpu.memory_space<vmem_shared>>) dst(%dma_wait3A_18 : memref<32x128xf32, #tpu.memory_space<hbm>>)
      tpu.yield
    }) : () -> ()
    return
  }
}

module attributes {stable_mosaic.version = 14 : i64} {
  func.func @_comb_body(%arg0: memref<512x128xf32, #tpu.memory_space<vmem>>, %arg1: memref<2x512x128xf32, #tpu.memory_space<vmem>>, %arg2: memref<512x128xf32, #tpu.memory_space<vmem>>) attributes {dimension_semantics = [], scalar_prefetch = 0 : i64, scratch_operands = 0 : i64, tpu.core_type = #tpu.core_type<tc>} {
    %get3A = arith.constant 0 : index
    %get3A_0 = arith.constant 0 : index
    %get3A_1 = arith.constant 0 : index
    %get3A_2 = vector.load %arg1[%get3A, %get3A_0, %get3A_1] : memref<2x512x128xf32, #tpu.memory_space<vmem>>, vector<1x512x1xf32>
    %get3A_3 = vector.shape_cast %get3A_2 : vector<1x512x1xf32> to vector<512x1xf32>
    %get3A_4 = arith.constant 1 : index
    %get3A_5 = arith.constant 0 : index
    %get3A_6 = arith.constant 0 : index
    %get3A_7 = vector.load %arg1[%get3A_4, %get3A_5, %get3A_6] : memref<2x512x128xf32, #tpu.memory_space<vmem>>, vector<1x512x1xf32>
    %get3A_8 = vector.shape_cast %get3A_7 : vector<1x512x1xf32> to vector<512x1xf32>
    %add3A = arith.addf %get3A_3, %get3A_8 : vector<512x1xf32>
    %get3A_9 = arith.constant 0 : index
    %get3A_10 = arith.constant 0 : index
    %get3A_11 = vector.load %arg0[%get3A_9, %get3A_10] : memref<512x128xf32, #tpu.memory_space<vmem>>, vector<512x128xf32>
    %max3A = arith.constant 1.000000e+00 : f32
    %max3A_12 = vector.broadcast %max3A : f32 to vector<512x1xf32>
    %max3A_13 = arith.maximumf %add3A, %max3A_12 : vector<512x1xf32>
    %div3A = vector.broadcast %max3A_13 : vector<512x1xf32> to vector<512x128xf32>
    %div3A_14 = arith.divf %get3A_11, %div3A : vector<512x128xf32>
    %swap3A = arith.constant 0 : index
    %swap3A_15 = arith.constant 0 : index
    %swap3A_16 = vector.load %arg2[%swap3A, %swap3A_15] : memref<512x128xf32, #tpu.memory_space<vmem>>, vector<512x128xf32>
    tpu.vector_store %arg2[%swap3A, %swap3A_15], %div3A_14 {strides = array<i32>} : memref<512x128xf32, #tpu.memory_space<vmem>>, vector<512x128xf32>,
    return
  }
}

module attributes {stable_mosaic.version = 14 : i64} {
  func.func @_score_body(%arg0: i32, %arg1: memref<1x1x10000xi32, #tpu.memory_space<vmem>>, %arg2: memref<10000x128xf32, #tpu.memory_space<vmem>>, %arg3: memref<1x128xf32, #tpu.memory_space<vmem>>, %arg4: memref<512x128xf32, #tpu.memory_space<vmem>>, %arg5: memref<512x128xf32, #tpu.memory_space<vmem>>, %arg6: memref<1x1xf32, #tpu.memory_space<vmem>>, %arg7: memref<1x1xf32, #tpu.memory_space<vmem>>) attributes {dimension_semantics = [#tpu.dimension_semantics<arbitrary>], iteration_bounds = array<i64: 10>, scalar_prefetch = 0 : i64, scratch_operands = 3 : i64, tpu.core_type = #tpu.core_type<tc>, window_params = [{transform_indices = @transform_0, window_bounds = array<i64: 1, 1, 10000>}, {transform_indices = @transform_1, window_bounds = array<i64: 10000, 128>}, {pipeline_mode = #tpu.pipeline_mode<synchronous>, transform_indices = @transform_2, window_bounds = array<i64: 1, 128>}, {pipeline_mode = #tpu.pipeline_mode<synchronous>, transform_indices = @transform_3, window_bounds = array<i64: 512, 128>}]} {
    %eq3A = arith.constant 0 : i32
    %eq3A_0 = arith.cmpi eq, %arg0, %eq3A : i32
    %convert_element_type3A = arith.extui %eq3A_0 : i1 to i32
    %cond3A = arith.constant 0 : i32
    %cond3A_1 = arith.cmpi ne, %convert_element_type3A, %cond3A : i32
    scf.if %cond3A_1 {
      %broadcast_in_dim3A_82 = arith.constant 0.000000e+00 : f32
      %broadcast_in_dim3A_83 = vector.broadcast %broadcast_in_dim3A_82 : f32 to vector<512x128xf32>
      %swap3A_84 = arith.constant 0 : index
      %swap3A_85 = arith.constant 0 : index
      %swap3A_86 = vector.load %arg5[%swap3A_84, %swap3A_85] : memref<512x128xf32, #tpu.memory_space<vmem>>, vector<512x128xf32>
      tpu.vector_store %arg5[%swap3A_84, %swap3A_85], %broadcast_in_dim3A_83 {strides = array<i32>} : memref<512x128xf32, #tpu.memory_space<vmem>>, vector<512x128xf32>,
      %broadcast_in_dim3A_87 = arith.constant -1.000000e+30 : f32
      %broadcast_in_dim3A_88 = vector.broadcast %broadcast_in_dim3A_87 : f32 to vector<1x1xf32>
      %swap3A_89 = arith.constant 0 : index
      %swap3A_90 = arith.constant 0 : index
      %swap3A_91 = vector.load %arg6[%swap3A_89, %swap3A_90] : memref<1x1xf32, #tpu.memory_space<vmem>>, vector<1x1xf32>
      tpu.vector_store %arg6[%swap3A_89, %swap3A_90], %broadcast_in_dim3A_88 {strides = array<i32>} : memref<1x1xf32, #tpu.memory_space<vmem>>, vector<1x1xf32>,
      %broadcast_in_dim3A_92 = arith.constant 0.000000e+00 : f32
      %broadcast_in_dim3A_93 = vector.broadcast %broadcast_in_dim3A_92 : f32 to vector<1x1xf32>
      %swap3A_94 = arith.constant 0 : index
      %swap3A_95 = arith.constant 0 : index
      %swap3A_96 = vector.load %arg7[%swap3A_94, %swap3A_95] : memref<1x1xf32, #tpu.memory_space<vmem>>, vector<1x1xf32>
      tpu.vector_store %arg7[%swap3A_94, %swap3A_95], %broadcast_in_dim3A_93 {strides = array<i32>} : memref<1x1xf32, #tpu.memory_space<vmem>>, vector<1x1xf32>,
    } else {
    }
    %get3A = arith.constant 0 : index
    %get3A_2 = arith.constant 0 : index
    %get3A_3 = vector.load %arg2[%get3A, %get3A_2] : memref<10000x128xf32, #tpu.memory_space<vmem>>, vector<10000x128xf32>
    %get3A_4 = arith.constant 0 : index
    %get3A_5 = arith.constant 0 : index
    %get3A_6 = vector.load %arg3[%get3A_4, %get3A_5] : memref<1x128xf32, #tpu.memory_space<vmem>>, vector<1x128xf32>
    %dot_general3A = arith.constant dense<0.000000e+00> : vector<1x10000xf32>
    %dot_general3A_7 = tpu.matmul %get3A_6, %get3A_3, %dot_general3A {dimension_numbers = #tpu.dot_dimension_numbers<[1], [1], [0], [0], [0, 0, 1, 0], [], []>, transpose_lhs_hint = false} : vector<1x128xf32>, vector<10000x128xf32>, vector<1x10000xf32> -> vector<1x10000xf32>
    %reduce_max3A = arith.constant dense<0xFF800000> : vector<1xf32>
    %reduce_max3A_8 = vector.multi_reduction <maximumf>, %dot_general3A_7, %reduce_max3A [1] : vector<1x10000xf32> to vector<1xf32>
    %broadcast_in_dim3A = vector.shape_cast %reduce_max3A_8 : vector<1xf32> to vector<1x1xf32>
    %get3A_9 = arith.constant 0 : index
    %get3A_10 = arith.constant 0 : index
    %get3A_11 = vector.load %arg6[%get3A_9, %get3A_10] : memref<1x1xf32, #tpu.memory_space<vmem>>, vector<1x1xf32>
    %max3A = arith.maximumf %get3A_11, %broadcast_in_dim3A : vector<1x1xf32>
    %sub3A = arith.subf %get3A_11, %max3A : vector<1x1xf32>
    %exp3A = math.exp %sub3A : vector<1x1xf32>
    %sub3A_12 = vector.broadcast %max3A : vector<1x1xf32> to vector<1x10000xf32>
    %sub3A_13 = arith.subf %dot_general3A_7, %sub3A_12 : vector<1x10000xf32>
    %exp3A_14 = math.exp %sub3A_13 : vector<1x10000xf32>
    %get3A_15 = arith.constant 0 : index
    %get3A_16 = arith.constant 0 : index
    %get3A_17 = arith.constant 0 : index
    %get3A_18 = vector.load %arg1[%get3A_15, %get3A_16, %get3A_17] : memref<1x1x10000xi32, #tpu.memory_space<vmem>>, vector<1x1x10000xi32>
    %get3A_19 = vector.shape_cast %get3A_18 : vector<1x1x10000xi32> to vector<1x10000xi32>
    %squeeze3A = vector.extract %broadcast_in_dim3A[0, 0] : f32 from vector<1x1xf32>
    %squeeze3A_20 = vector.extract %get3A_11[0, 0] : f32 from vector<1x1xf32>
    %gt3A = arith.cmpf ogt, %squeeze3A, %squeeze3A_20 : f32
    %convert_element_type3A_21 = arith.extui %gt3A : i1 to i32
    %cond3A_22 = arith.constant 0 : i32
    %cond3A_23 = arith.cmpi ne, %convert_element_type3A_21, %cond3A_22 : i32
    scf.if %cond3A_23 {
      %get3A_82 = arith.constant 0 : index
      %get3A_83 = arith.constant 0 : index
      %get3A_84 = vector.load %arg5[%get3A_82, %get3A_83] : memref<512x128xf32, #tpu.memory_space<vmem>>, vector<512x128xf32>
      %mul3A_85 = vector.broadcast %exp3A : vector<1x1xf32> to vector<512x128xf32>
      %mul3A_86 = arith.mulf %get3A_84, %mul3A_85 : vector<512x128xf32>
      %swap3A_87 = arith.constant 0 : index
      %swap3A_88 = arith.constant 0 : index
      %swap3A_89 = vector.load %arg5[%swap3A_87, %swap3A_88] : memref<512x128xf32, #tpu.memory_space<vmem>>, vector<512x128xf32>
      tpu.vector_store %arg5[%swap3A_87, %swap3A_88], %mul3A_86 {strides = array<i32>} : memref<512x128xf32, #tpu.memory_space<vmem>>, vector<512x128xf32>,
    } else {
    }
    %get3A_24 = arith.constant 0 : index
    %get3A_25 = arith.constant 0 : index
    %get3A_26 = vector.load %arg7[%get3A_24, %get3A_25] : memref<1x1xf32, #tpu.memory_space<vmem>>, vector<1x1xf32>
    %mul3A = arith.mulf %get3A_26, %exp3A : vector<1x1xf32>
    %reduce_sum3A = vector.shape_cast %exp3A_14 : vector<1x10000xf32> to vector<1x1x10000xf32>
    %reduce_sum3A_27 = arith.constant dense<0.000000e+00> : vector<1xf32>
    %reduce_sum3A_28 = vector.multi_reduction <add>, %reduce_sum3A, %reduce_sum3A_27 [1, 2] : vector<1x1x10000xf32> to vector<1xf32>
    %reduce_sum3A_29 = vector.shape_cast %reduce_sum3A_28 : vector<1xf32> to vector<1x1x1xf32>
    %reduce_sum3A_30 = vector.extract %reduce_sum3A_29[0, 0, 0] : f32 from vector<1x1x1xf32>
    %broadcast_in_dim3A_31 = vector.broadcast %reduce_sum3A_30 : f32 to vector<1x1xf32>
    %add3A = arith.addf %mul3A, %broadcast_in_dim3A_31 : vector<1x1xf32>
    %swap3A = arith.constant 0 : index
    %swap3A_32 = arith.constant 0 : index
    %swap3A_33 = vector.load %arg7[%swap3A, %swap3A_32] : memref<1x1xf32, #tpu.memory_space<vmem>>, vector<1x1xf32>
    tpu.vector_store %arg7[%swap3A, %swap3A_32], %add3A {strides = array<i32>} : memref<1x1xf32, #tpu.memory_space<vmem>>, vector<1x1xf32>,
    %swap3A_34 = arith.constant 0 : index
    %swap3A_35 = arith.constant 0 : index
    %swap3A_36 = vector.load %arg6[%swap3A_34, %swap3A_35] : memref<1x1xf32, #tpu.memory_space<vmem>>, vector<1x1xf32>
    tpu.vector_store %arg6[%swap3A_34, %swap3A_35], %max3A {strides = array<i32>} : memref<1x1xf32, #tpu.memory_space<vmem>>, vector<1x1xf32>,
    %reduce_min3A = vector.shape_cast %get3A_19 : vector<1x10000xi32> to vector<1x1x10000xi32>
    %reduce_min3A_37 = arith.constant dense<2147483647> : vector<1xi32>
    %reduce_min3A_38 = vector.multi_reduction <minsi>, %reduce_min3A, %reduce_min3A_37 [1, 2] : vector<1x1x10000xi32> to vector<1xi32>
    %reduce_min3A_39 = vector.shape_cast %reduce_min3A_38 : vector<1xi32> to vector<1x1x1xi32>
    %reduce_min3A_40 = vector.extract %reduce_min3A_39[0, 0, 0] : i32 from vector<1x1x1xi32>
    %reduce_max3A_41 = vector.shape_cast %get3A_19 : vector<1x10000xi32> to vector<1x1x10000xi32>
    %reduce_max3A_42 = arith.constant dense<-2147483648> : vector<1xi32>
    %reduce_max3A_43 = vector.multi_reduction <maxsi>, %reduce_max3A_41, %reduce_max3A_42 [1, 2] : vector<1x1x10000xi32> to vector<1xi32>
    %reduce_max3A_44 = vector.shape_cast %reduce_max3A_43 : vector<1xi32> to vector<1x1x1xi32>
    %reduce_max3A_45 = vector.extract %reduce_max3A_44[0, 0, 0] : i32 from vector<1x1x1xi32>
    %jit3A = arith.constant 8 : i32
    %div3A = arith.divsi %reduce_min3A_40, %jit3A : i32
    %sign3A = arith.constant 0 : i32
    %sign3A_46 = arith.cmpi sgt, %reduce_min3A_40, %sign3A : i32
    %sign3A_47 = arith.extui %sign3A_46 : i1 to i32
    %sign3A_48 = arith.constant 0 : i32
    %sign3A_49 = arith.cmpi slt, %reduce_min3A_40, %sign3A_48 : i32
    %sign3A_50 = arith.extui %sign3A_49 : i1 to i32
    %sign3A_51 = arith.subi %sign3A_47, %sign3A_50 : i32
    %sign3A_52 = arith.constant 0 : i32
    %sign3A_53 = arith.cmpi sgt, %jit3A, %sign3A_52 : i32
    %sign3A_54 = arith.extui %sign3A_53 : i1 to i32
    %sign3A_55 = arith.constant 0 : i32
    %sign3A_56 = arith.cmpi slt, %jit3A, %sign3A_55 : i32
    %sign3A_57 = arith.extui %sign3A_56 : i1 to i32
    %sign3A_58 = arith.subi %sign3A_54, %sign3A_57 : i32
    %ne3A = arith.cmpi ne, %sign3A_51, %sign3A_58 : i32
    %rem3A = arith.remsi %reduce_min3A_40, %jit3A : i32
    %ne3A_59 = arith.constant 0 : i32
    %ne3A_60 = arith.cmpi ne, %rem3A, %ne3A_59 : i32
    %and3A = arith.andi %ne3A, %ne3A_60 : i1
    %sub3A_61 = arith.constant 1 : i32
    %sub3A_62 = arith.subi %div3A, %sub3A_61 : i32
    %select_n3A = arith.select %and3A, %sub3A_62, %div3A : i32
    %mul3A_63 = arith.constant 8 : i32
    %mul3A_64 = arith.muli %select_n3A, %mul3A_63 : i32
    %min3A = arith.constant 384 : i32
    %min3A_65 = arith.minsi %mul3A_64, %min3A : i32
    %sub3A_66 = arith.subi %reduce_max3A_45, %min3A_65 : i32
    %lt3A = arith.constant 128 : i32
    %lt3A_67 = arith.cmpi slt, %sub3A_66, %lt3A : i32
    %convert_element_type3A_68 = arith.truncf %get3A_3 : vector<10000x128xf32> to vector<10000x128xbf16>
    %convert_element_type3A_69 = arith.truncf %exp3A_14 : vector<1x10000xf32> to vector<1x10000xbf16>
    %convert_element_type3A_70 = arith.extui %lt3A_67 : i1 to i32
    %cond3A_71 = arith.constant 0 : i32
    %cond3A_72 = arith.cmpi ne, %convert_element_type3A_70, %cond3A_71 : i32
    scf.if %cond3A_72 {
      %iota3A = tpu.iota {dimensions = array<i32: 0>} : vector<128x10000xi32>
      %sub3A_82 = vector.broadcast %min3A_65 : i32 to vector<1x10000xi32>
      %sub3A_83 = arith.subi %get3A_19, %sub3A_82 : vector<1x10000xi32>
      %eq3A_84 = vector.broadcast %sub3A_83 : vector<1x10000xi32> to vector<128x10000xi32>
      %eq3A_85 = arith.cmpi eq, %iota3A, %eq3A_84 : vector<128x10000xi32>
      %convert_element_type3A_86 = arith.extui %eq3A_85 : vector<128x10000xi1> to vector<128x10000xi32>
      %convert_element_type3A_87 = arith.sitofp %convert_element_type3A_86 : vector<128x10000xi32> to vector<128x10000xf32>
      %convert_element_type3A_88 = arith.truncf %convert_element_type3A_87 : vector<128x10000xf32> to vector<128x10000xbf16>
      %mul3A_89 = vector.broadcast %convert_element_type3A_69 : vector<1x10000xbf16> to vector<128x10000xbf16>
      %mul3A_90 = arith.mulf %convert_element_type3A_88, %mul3A_89 : vector<128x10000xbf16>
      %get3A_91 = arith.index_cast %min3A_65 : i32 to index
      %get3A_92 = arith.constant 0 : index
      %get3A_93 = vector.load %arg5[%get3A_91, %get3A_92] : memref<512x128xf32, #tpu.memory_space<vmem>>, vector<128x128xf32>
      %dot_general3A_94 = arith.constant dense<0.000000e+00> : vector<128x128xf32>
      %dot_general3A_95 = tpu.matmul %mul3A_90, %convert_element_type3A_68, %dot_general3A_94 {dimension_numbers = #tpu.dot_dimension_numbers<[1], [0], [0], [1], [0, 0, 1, 1], [], []>, transpose_lhs_hint = false} : vector<128x10000xbf16>, vector<10000x128xbf16>, vector<128x128xf32> -> vector<128x128xf32>
      %add3A_96 = arith.addf %get3A_93, %dot_general3A_95 : vector<128x128xf32>
      %swap3A_97 = arith.index_cast %min3A_65 : i32 to index
      %swap3A_98 = arith.constant 0 : index
      %swap3A_99 = vector.load %arg5[%swap3A_97, %swap3A_98] : memref<512x128xf32, #tpu.memory_space<vmem>>, vector<128x128xf32>
      tpu.vector_store %arg5[%swap3A_97, %swap3A_98], %add3A_96 {strides = array<i32>} : memref<512x128xf32, #tpu.memory_space<vmem>>, vector<128x128xf32>,
    } else {
    }
    %not3A = arith.constant true
    %not3A_73 = arith.xori %lt3A_67, %not3A : i1
    %convert_element_type3A_74 = arith.extui %not3A_73 : i1 to i32
    %cond3A_75 = arith.constant 0 : i32
    %cond3A_76 = arith.cmpi ne, %convert_element_type3A_74, %cond3A_75 : i32
    scf.if %cond3A_76 {
      %iota3A = tpu.iota {dimensions = array<i32: 0>} : vector<512x10000xi32>
      %eq3A_82 = vector.broadcast %get3A_19 : vector<1x10000xi32> to vector<512x10000xi32>
      %eq3A_83 = arith.cmpi eq, %iota3A, %eq3A_82 : vector<512x10000xi32>
      %convert_element_type3A_84 = arith.extui %eq3A_83 : vector<512x10000xi1> to vector<512x10000xi32>
      %convert_element_type3A_85 = arith.sitofp %convert_element_type3A_84 : vector<512x10000xi32> to vector<512x10000xf32>
      %convert_element_type3A_86 = arith.truncf %convert_element_type3A_85 : vector<512x10000xf32> to vector<512x10000xbf16>
      %mul3A_87 = vector.broadcast %convert_element_type3A_69 : vector<1x10000xbf16> to vector<512x10000xbf16>
      %mul3A_88 = arith.mulf %convert_element_type3A_86, %mul3A_87 : vector<512x10000xbf16>
      %get3A_89 = arith.constant 0 : index
      %get3A_90 = arith.constant 0 : index
      %get3A_91 = vector.load %arg5[%get3A_89, %get3A_90] : memref<512x128xf32, #tpu.memory_space<vmem>>, vector<512x128xf32>
      %dot_general3A_92 = arith.constant dense<0.000000e+00> : vector<512x128xf32>
      %dot_general3A_93 = tpu.matmul %mul3A_88, %convert_element_type3A_68, %dot_general3A_92 {dimension_numbers = #tpu.dot_dimension_numbers<[1], [0], [0], [1], [0, 0, 1, 1], [], []>, transpose_lhs_hint = false} : vector<512x10000xbf16>, vector<10000x128xbf16>, vector<512x128xf32> -> vector<512x128xf32>
      %add3A_94 = arith.addf %get3A_91, %dot_general3A_93 : vector<512x128xf32>
      %swap3A_95 = arith.constant 0 : index
      %swap3A_96 = arith.constant 0 : index
      %swap3A_97 = vector.load %arg5[%swap3A_95, %swap3A_96] : memref<512x128xf32, #tpu.memory_space<vmem>>, vector<512x128xf32>
      tpu.vector_store %arg5[%swap3A_95, %swap3A_96], %add3A_94 {strides = array<i32>} : memref<512x128xf32, #tpu.memory_space<vmem>>, vector<512x128xf32>,
    } else {
    }
    %eq3A_77 = arith.constant 9 : i32
    %eq3A_78 = arith.cmpi eq, %arg0, %eq3A_77 : i32
    %convert_element_type3A_79 = arith.extui %eq3A_78 : i1 to i32
    %cond3A_80 = arith.constant 0 : i32
    %cond3A_81 = arith.cmpi ne, %convert_element_type3A_79, %cond3A_80 : i32
    scf.if %cond3A_81 {
      %get3A_82 = arith.constant 0 : index
      %get3A_83 = arith.constant 0 : index
      %get3A_84 = vector.load %arg5[%get3A_82, %get3A_83] : memref<512x128xf32, #tpu.memory_space<vmem>>, vector<512x128xf32>
      %get3A_85 = arith.constant 0 : index
      %get3A_86 = arith.constant 0 : index
      %get3A_87 = vector.load %arg7[%get3A_85, %get3A_86] : memref<1x1xf32, #tpu.memory_space<vmem>>, vector<1x1xf32>
      %div3A_88 = vector.broadcast %get3A_87 : vector<1x1xf32> to vector<512x128xf32>
      %div3A_89 = arith.divf %get3A_84, %div3A_88 : vector<512x128xf32>
      %swap3A_90 = arith.constant 0 : index
      %swap3A_91 = arith.constant 0 : index
      %swap3A_92 = vector.load %arg4[%swap3A_90, %swap3A_91] : memref<512x128xf32, #tpu.memory_space<vmem>>, vector<512x128xf32>
      tpu.vector_store %arg4[%swap3A_90, %swap3A_91], %div3A_89 {strides = array<i32>} : memref<512x128xf32, #tpu.memory_space<vmem>>, vector<512x128xf32>,
    } else {
    }
    return
  }
  func.func @transform_0(%arg0: i32) -> (i32, i32, i32) {
    %c0_i32 = arith.constant 0 : i32
    %c0_i32_0 = arith.constant 0 : i32
    %c0_i32_1 = arith.constant 0 : i32
    return %arg0, %c0_i32, %c0_i32_0 : i32, i32, i32
  }
  func.func @transform_1(%arg0: i32) -> (i32, i32) {
    %c0_i32 = arith.constant 0 : i32
    %c0_i32_0 = arith.constant 0 : i32
    return %arg0, %c0_i32 : i32, i32
  }
  func.func @transform_2(%arg0: i32) -> (i32, i32) {
    %c0_i32 = arith.constant 0 : i32
    %c0_i32_0 = arith.constant 0 : i32
    %c0_i32_1 = arith.constant 0 : i32
    return %c0_i32, %c0_i32_0 : i32, i32
  }
  func.func @transform_3(%arg0: i32) -> (i32, i32) {
    %c0_i32 = arith.constant 0 : i32
    %c0_i32_0 = arith.constant 0 : i32
    %c0_i32_1 = arith.constant 0 : i32
    return %c0_i32, %c0_i32_0 : i32, i32
  }
}

</mosaic_0001>

<sc_bundles>
// kernel: _run.5.cloned.1.call-start
scs
__scs_entry_jumppad:
0x0: {  	(pc) =	sbr.rel $0x88, $3  }
0x1: {  	(tag) =	ssettag $0x0;
	lr =	simm.s32 $0x1  }
0x2: {  	[smem:$0x3F9D] =	sst lr;
	_ =	strace $0xD0000000  }
0x3: {  	_ = 	snop  }
0x4: {  	_ = 	snop  }
0x5: {  	_ = 	snop  }
0x6: {  	_ = 	snop  }
0x7: {  	_ = 	snop  }
__scs_overlays_trampoline_lowered:
0x8: {  	[smem:$0x3FAC] =	sst s0  }
0x9: {  	[smem:$0x3FAD] =	sst s1  }
0xa: {  	[smem:$0x3FAE] =	sst s2  }
0xb: {  	[smem:$0x3FAF] =	sst s3  }
0xc: {  	[smem:$0x3FB0] =	sst s4  }
0xd: {  	[smem:$0x3FB1] =	sst s5  }
0xe: {  	[smem:$0x3FB2] =	sst s6  }
0xf: {  	[smem:$0x3FB3] =	sst s7  }
0x10: {  	[smem:$0x3FB4] =	sst s8  }
0x11: {  	[smem:$0x3FB5] =	sst s9;
	s0 =	simm.s32 @!p0 $0x0  }
0x12: {  	s1 =	sld [smem:$0x3F9B];
	s0 =	simm.s32 @p0 $0x1  }
0x13: {  	[smem:$0x3FB6] =	sst s0;
	s0 =	simm.s32 @!p1 $0x0  }
0x14: {  	s2 =	sld [smem:$0x3F9A];
	s0 =	simm.s32 @p1 $0x1  }
0x15: {  	[smem:$0x3FB7] =	sst s0;
	s0 =	simm.s32 @!p2 $0x0  }
0x16: {  	s3 =	sld [smem:$0x3FDB];
	s0 =	simm.s32 @p2 $0x1  }
0x17: {  	s4 =	simm.s32 $0x1BF5;
	[smem:$0x3FB9] =	sst s0  }
0x18: {  	s0 =	sld [smem:$0x3F9C];
	_ =	swait.ge [sflag:s4], $0x0  }
0x19: {  	s7 =	sld [smem:$0x3F9D]  }
0x1a: {  	s8 =	sadd.s32 $0xFFFFE003, lr  }
0x1b: {  	s9 =	sadd.s32 $0xFFFFFEF7, lr;
	s5 =	simm.s32 $0xFFFFFFFF;
	p2 =	slt.u32 s8, $0xFFFFF086  }
0x1c: {  	p1 =	slt.u32 s9, $0xF7A;
	s5 =	simm.s32 @!p2 $0x0  }
0x1d: {  	s5 =	simm.s32 @p1 $0x1;
	p0 =	seq.s32 s7, s2  }
0x1e: {  	s7 =	smul.u32 @!p0 $0xF7A, s2;
	p2 =	seq.s32 @!p0 s5, $0x0  }
0x1f: {  	s9 =	smul.u32 $0xF7A, s1;
	s8 =	simm.s32 @!p0 $0x1BF5;
	p2 =	por !p2, p0  }
0x20: {  	[sflag:s8] =	ssyncset.s32 @!p0 $0xFFFFF086;
	s6 =	sadd.s32 @!p0 s3, s7;
	s7 =	simm.s32 @!p0 $0x108  }
0x21: {  	s3 =	sadd.s32 s3, s9;
	s6 =	sadd.s32 @!p0 $0x88, s6;
	s7 =	simm.s32 @p2 $0x1082  }
0x22: {  	[simem:s7], [sflag:s8] =	dma.local @!p0 [hbm:s6], $0xF7A  }
0x23: {  	s9 =	sor.u32 $0xD0000000, s2;
	s6 =	simm.s32 $0x108;
	_ =	swait.ge @!p0 [sflag:s8], $0x0  }
0x24: {  	s3 =	sadd.s32 $0x88, s3;
	s6 =	simm.s32 @!p1 $0x1082;
	[sflag:s4] =	ssyncset.s32 $0xFFFFF086  }
0x25: {  	[simem:s6], [sflag:s4] =	dma.local [hbm:s3], $0xF7A  }
0x26: {  	[smem:$0x3F9D] =	sst s1;
	(tag) =	ssettag s2;
	_ =	strace s9  }
0x27: {  	s1 =	sld [smem:$0x3FAD]  }
0x28: {  	s2 =	sld [smem:$0x3FAE]  }
0x29: {  	s4 =	sld [smem:$0x3FB0]  }
0x2a: {  	p0 =	seq.s32 s5, $0x0;
	s5 =	sld [smem:$0x3FB1]  }
0x2b: {  	s6 =	sld [smem:$0x3FB2]  }
0x2c: {  	s7 =	sld [smem:$0x3FB3]  }
0x2d: {  	s3 =	simm.s32 $0x108;
	s8 =	sld [smem:$0x3FB4]  }
0x2e: {  	s3 =	simm.s32 @!p0 $0x1082;
	s9 =	sld [smem:$0x3FB5]  }
0x2f: {  	lr =	sadd.s32 s0, s3;
	s0 =	sld [smem:$0x3FAC]  }
0x30: {  	s3 =	sld [smem:$0x3FAF]  }
0x31: {  	[smem:$0x3FB8] =	sst s10  }
0x32: {  	s10 =	sld [smem:$0x3FB6];
	_ =	sdelay $0x3  }
0x33: {  	p0 =	seq.s32 s10, $0x1;
	s10 =	sld [smem:$0x3FB8];
	_ =	sdelay $0x3  }
0x34: {  	[smem:$0x3FB8] =	sst s10  }
0x35: {  	s10 =	sld [smem:$0x3FB7];
	_ =	sdelay $0x3  }
0x36: {  	p1 =	seq.s32 s10, $0x1;
	s10 =	sld [smem:$0x3FB8];
	_ =	sdelay $0x3  }
0x37: {  	[smem:$0x3FB8] =	sst s10  }
0x38: {  	s10 =	sld [smem:$0x3FB9]  }
0x39: {  	_ = 	snop;
	(pc) =	sbr.ind lr, $3  }
0x3a: {  	_ = 	snop  }
0x3b: {  	_ = 	snop  }
0x3c: {  	p2 =	seq.s32 s10, $0x1;
	s10 =	sld [smem:$0x3FB8]  }
0x3d: {  	_ =	shalt  }
0x3e: {  	_ =	shalt  }
0x3f: {  	_ =	shalt  }
0x40: {  	_ =	shalt  }
0x41: {  	_ =	shalt  }
0x42: {  	_ =	shalt  }
0x43: {  	_ =	shalt  }
0x44: {  	_ =	shalt  }
0x45: {  	_ =	shalt  }
0x46: {  	_ =	shalt  }
0x47: {  	_ =	shalt  }
0x48: {  	_ =	shalt  }
0x49: {  	_ =	shalt  }
0x4a: {  	_ =	shalt  }
0x4b: {  	_ =	shalt  }
0x4c: {  	_ =	shalt  }
0x4d: {  	_ =	shalt  }
0x4e: {  	_ =	shalt  }
0x4f: {  	_ =	shalt  }
0x50: {  	_ =	shalt  }
0x51: {  	_ =	shalt  }
0x52: {  	_ =	shalt  }
0x53: {  	_ =	shalt  }
0x54: {  	_ =	shalt  }
0x55: {  	_ =	shalt  }
0x56: {  	_ =	shalt  }
0x57: {  	_ =	shalt  }
0x58: {  	_ =	shalt  }
0x59: {  	_ =	shalt  }
0x5a: {  	_ =	shalt  }
0x5b: {  	_ =	shalt  }
0x5c: {  	_ =	shalt  }
0x5d: {  	_ =	shalt  }
0x5e: {  	_ =	shalt  }
0x5f: {  	_ =	shalt  }
0x60: {  	_ =	shalt  }
0x61: {  	_ =	shalt  }
0x62: {  	_ =	shalt  }
0x63: {  	_ =	shalt  }
0x64: {  	_ =	shalt  }
0x65: {  	_ =	shalt  }
0x66: {  	_ =	shalt  }
0x67: {  	_ =	shalt  }
0x68: {  	_ =	shalt  }
0x69: {  	_ =	shalt  }
0x6a: {  	_ =	shalt  }
0x6b: {  	_ =	shalt  }
0x6c: {  	_ =	shalt  }
0x6d: {  	_ =	shalt  }
0x6e: {  	_ =	shalt  }
0x6f: {  	_ =	shalt  }
0x70: {  	_ =	shalt  }
0x71: {  	_ =	shalt  }
0x72: {  	_ =	shalt  }
0x73: {  	_ =	shalt  }
0x74: {  	_ =	shalt  }
0x75: {  	_ =	shalt  }
0x76: {  	_ =	shalt  }
0x77: {  	_ =	shalt  }
0x78: {  	_ =	shalt  }
0x79: {  	_ =	shalt  }
0x7a: {  	_ =	shalt  }
0x7b: {  	_ =	shalt  }
0x7c: {  	_ =	shalt  }
0x7d: {  	_ =	shalt  }
0x7e: {  	_ =	shalt  }
0x7f: {  	_ =	shalt  }
0x80: {  	_ =	shalt  }
0x81: {  	_ =	shalt  }
0x82: {  	_ =	shalt  }
0x83: {  	_ =	shalt  }
0x84: {  	_ =	shalt  }
0x85: {  	_ =	shalt  }
0x86: {  	_ =	shalt  }
0x87: {  	_ =	shalt  }
.Lfunc_end0:
.L_simem_size_0:
called_computation_lowered:
.L_overlay_start_0:
0x88: {  	s2 =	sld [smem:$0x3FD9]  }
0x89: {  	s3 =	sld [smem:$0x3FFE];
	_ =	sdelay $0x1  }
0x8a: {  	s1 =	srdreg.scid  }
0x8b: {  	s0 =	sand.u32 $0x1, s1  }
0x8c: {  	s17 =	sshll.u32 s0, $0xA;
	s2 =	sadd.s32 s3, s2  }
0x8d: {  	s2 =	sadd.s32 s2, s17  }
0x8e: {  	[smem:$0x3FC4] =	sst s2  }
0x8f: {  	_ = 	snop  }
0x90: {  	s2 =	sld [smem:$0x3FC8]  }
0x91: {  	s18 =	sld [smem:$0x3FD0];
	(tm) =	ssettm $0x1  }
0x92: {  	s4 =	sld [smem:$0x3FFB];
	_ =	sdelay $0x3  }
0x93: {  	_ =	strace s4  }
0x94: {  	s4 =	sld [smem:$0x3FFC];
	_ =	sdelay $0x3  }
0x95: {  	_ =	strace s4  }
0x96: {  	s4 =	sld [smem:$0x3FFD];
	_ =	sdelay $0x3  }
0x97: {  	_ =	strace s4  }
0x98: {  	_ =	strace $0x8FFFFFFF  }
0x99: {  	s19 =	sld [smem:$0x3FDB];
	_ =	sdelay $0x1  }
0x9a: {  	s5 =	simm.s32 $_scs_section_size  }
0x9b: {  	s6 =	simm.s32 $_size__tile_overlayer_lowered;
	s7 =	simm.s32 $_tile_overlayer_lowered  }
0x9c: {  	s22 =	simm.s32 $0x1BFF;
	s21 =	sshll.u32 s7, $0x1;
	s4 =	sadd.s32 s5, s19  }
0x9d: {  	s8 =	simm.s32 $0x0;
	s20 =	sshll.u32 s6, $0x1;
	s6 =	sadd.s32 s21, s4  }
0x9e: {  	[timem:s8], [sflag:s22] =	dma.local [hbm:s6], s20  }
0x9f: {  	_ =	swait.ge [sflag:s22], s20  }
0xa0: {  	s5 =	ssub.s32 $0x0, s20;
	[sflag:s22] =	ssyncset.done $0x0  }
0xa1: {  	[sflag:s22] =	ssyncadd.s32 s5;
	_ =	sdelay $0x1  }
0xa2: {  	s23 =	simm.s32 $0x1B8B  }
0xa3: {  	_ =	swait.ge [sflag:s23], $0x1  }
0xa4: {  	[sflag:s23] =	ssyncset.done $0x0  }
0xa5: {  	s25 =	simm.s32 $0x1B8E;
	s24 =	sld [smem:$0x3FFE];
	[sflag:s23] =	ssyncadd.s32 $0xFFFFFFFF  }
0xa6: {  	s26 =	simm.s32 $execute0_lowered;
	[smem:$0x3FD2] =	sst s25  }
0xa7: {  	s6 =	sshll.u32 s26, $0x1;
	_ =	strace $0x80000046;
	[dreg:$0x1] =	wrdreg $0xFFFFFFFF  }
0xa8: {  	s28 =	simm.s32 $_size_execute0_lowered;
	s4 =	sadd.s32 s4, s6;
	[dreg:$0x0] =	wrdreg $0x0  }
0xa9: {  	s6 =	sshll.u32 s28, $0x1;
	[dreg:$0x2] =	wrdreg s4  }
0xaa: {  	[dreg:$0x3] =	wrdreg s6  }
0xab: {  	[dreg:$0x4] =	wrdreg $0xC0  }
0xac: {  	_ =	task [dreg:s8], $0x5FFFF  }
0xad: {  	[dreg:$0x1] =	wrdreg $0xFFFFFFFF  }
0xae: {  	[dreg:$0x0] =	wrdreg $0x60  }
0xaf: {  	[dreg:$0x2] =	wrdreg s2  }
0xb0: {  	[dreg:$0x3] =	wrdreg s24  }
0xb1: {  	[dreg:$0x4] =	wrdreg s18  }
0xb2: {  	[dreg:$0x5] =	wrdreg $0x28800  }
0xb3: {  	[dreg:$0x6] =	wrdreg $0x9  }
0xb4: {  	_ =	task.clear_ibuf [dreg:s8], $0x7FFFF;
	_ =	strace $0x90000046  }
0xb5: {  	s29 =	simm.s32 $0x9;
	_ =	strace $0x80000048  }
0xb6: {  	_ =	swait.ge [sflag:s29], $0x1  }
0xb7: {  	[sflag:s29] =	ssyncadd.s32 $0xFFFFFFFF  }
0xb8: {  	_ =	strace $0x90000048  }
0xb9: {  	_ =	sfence  }
0xba: {  	s30 =	sld [smem:$0x0];
	_ =	sdelay $0x2  }
0xbb: {  	s31 =	sshll.u32 s1, $0xD;
	s1 =	sshrl.u32 s1, $0x2  }
0xbc: {  	s3 =	sand.u32 $0x4000, s31;
	s1 =	sadd.s32 s1, s30  }
0xbd: {  	s0 =	sor.u32 s3, s0;
	s1 =	sshll.u32 s1, $0x11  }
0xbe: {  	s0 =	sor.u32 s1, s0  }
0xbf: {  	s0 =	sadd.s32 $0x8F2B, s0  }
0xc0: {  	[sflag:s0] =	ssyncadd.remote.s32 $0x1  }
0xc1: {  	_ =	sfence.sel $0xFFFF  }
0xc2: {  	[dreg:$0x0] =	wrdreg $0xFFFFFFFF;
	(pc) =	sbr.abs _section_cstart, $3  }
0xc3: {  	[dreg:$0x1] =	wrdreg $0xFFFFFFFF  }
0xc4: {  	_ =	task.clear_ibuf [dreg:s8], $0x2FFFF;
	_ =	strace $0x9FFFFFFF  }
0xc5: {  	(tm) =	ssettm $0x7FFFFFFF  }
tec
execute0_lowered:
.L_overlay_start_1:
0x0: {  	(tag) =	ssettag $0x1  }
0x1: {  	s8 =	rddreg [dreg:$0x0]  }
0x2: {  	s5 =	rddreg [dreg:$0x1]  }
0x3: {  	s1 =	rddreg [dreg:$0x2]  }
0x4: {  	s2 =	rddreg [dreg:$0x3]  }
0x5: {  	s0 =	rddreg [dreg:$0x4];
	s3 =	simm.s32 $0x0;
	s4 =	srdreg.scid  }
0x6: {  	s12 =	stileid.u32;
	[smem:$0x7FF] =	sst s3  }
0x7: {  	s7 =	sand.u32 $0x1, s4;
	s4 =	sadd.s32 $0xA00, s5;
	s9 =	sshll.u32 s12, $0x9  }
0x8: {  	s31 =	smul.u32 $0x14, s12;
	s11 =	sshll.u32 s12, $0xC;
	p0 =	sne.s32 s12, $0x0  }
0x9: {  	_ =	strace $0x80000047;
	s6 =	ssub.s32 $0x2, s7;
	s9 =	sadd.s32 s9, s5  }
0xa: {  	s30 =	sshll.u32 s7, $0xD;
	s5 =	sshll.u32 s12, $0x1;
	s13 =	smul.u32 $0xA, s7  }
0xb: {  	s14 =	sadd.s32 s11, s2;
	s11 =	sshrl.u32 @!p0 s2, $0x3;
	s12 =	sshll.u32 s12, $0x6  }
0xc: {  	s10 =	sshrl.u32 s6, $0x1;
	s8 =	sadd.s32 s31, s8;
	s12 =	sor.u32 $0x1C01, s12  }
0xd: {  	s10 =	ssub.s32 s6, s10;
	s6 =	sadd.s32 s30, s9;
	s8 =	sadd.s32 s13, s8  }
0xe: {  	s9 =	simm.s32 $0x80;
	s13 =	sshrl.u32 s14, $0x3;
	s14 =	simm.s32 $0x0  }
0xf: {  	s6 =	sadd.s32 $0x1000, s6;
	s7 =	smax.u32 s10, $0x1;
	s10 =	simm.s32 $0x1  }
.LBB2_1:
0x10: {  	[tilespmem:s9], [sflag:$0x1] =	stream.linear.gather [hbm4b:s4+s3], $0x2800, $0x38;
	[tilespmem:$0x3880] =	vst v63  }
0x11: {  	_ =	swait.ge [sflag:s10], $0x2800  }
0x12: {  	[sflag:s10] =	ssyncset.done $0x0  }
0x13: {  	s15 =	simm.s32 @!p0 $0x1C01;
	[sflag:s10] =	ssyncadd.s32 $0xFFFFD800  }
0x14: {  	[spmem:s11], [sflag:s15] =	dma.local @!p0 [hbm:s1], $0x2000  }
0x15: {  	s15 =	simm.s32 @!p0 $0x1  }
0x16: {  	s30 =	sadd.s32 $0x0, s5;
	_ =	swait.ge @!p0 [sflag:s15], $0x2000  }
0x17: {  	p1 =	sgt.u32 s30, $0x4E1;
	[sflag:s15] =	ssyncset.done @!p0 $0x0  }
0x18: {  	s16 =	simm.s32 @!p1 $0x2;
	[sflag:s15] =	ssyncadd.s32 @!p0 $0xFFFFE000  }
0x19: {  	s15 =	simm.s32 @!p1 $0x0;
	p1 =	por p1, p1;
	[bflag:$0x0] =	sbarrier.arrive $0xFFFF  }
0x1a: {  	[tilespmem:s15], [sflag:$0x2] =	stream.linear.gather @!p1 [hbm4b:s8+s15], $0x50, $0x38;
	[tilespmem:$0x3880] =	vst v63  }
0x1b: {  	_ =	swait.ge @!p1 [sflag:s16], $0x50  }
0x1c: {  	s31 =	sadd.s32 $0x20, s5;
	s17 =	simm.s32 @!p1 $0x1;
	[sflag:s16] =	ssyncset.done @!p1 $0x0  }
0x1d: {  	s18 =	simm.s32 @!p1 $0x80;
	[sflag:s16] =	ssyncadd.s32 @!p1 $0xFFFFFFB0;
	s16 =	simm.s32 @!p1 $0x50  }
0x1e: {  	[spmem:s2] =	stream.indirect.scatter.add.f32 @!p1 [tilespmem:s18], [sflag:$0x1], $0x80, s15, s16, $0xb8;
	[tilespmem:$0x3880] =	vst v63  }
0x1f: {  	p2 =	sgt.u32 s31, $0x4E1;
	_ =	swait.ge @!p1 [sflag:s17], $0x2800  }
0x20: {  	s16 =	simm.s32 $0x40;
	s15 =	sadd.s32 $0x140, s8;
	[sflag:s17] =	ssyncset.done @!p1 $0x0  }
.LBB2_2:
0x21: {  	s18 =	simm.s32 @!p2 $0x0;
	s19 =	simm.s32 @!p2 $0x2;
	[sflag:s17] =	ssyncadd.s32 @!p1 $0xFFFFD800  }
0x22: {  	s20 =	smov.u32 s16;
	p1 =	por p2, p2;
	s16 =	sadd.s32 $0x20, s16  }
0x23: {  	[tilespmem:s18], [sflag:$0x2] =	stream.linear.gather @!p1 [hbm4b:s15+s18], $0x50, $0x38;
	[tilespmem:$0x3880] =	vst v63  }
0x24: {  	p3 =	sne.s32 s16, $0x500;
	_ =	swait.ge @!p1 [sflag:s19], $0x50  }
.Ltmp0:
0x25: {  	s17 =	simm.s32 @!p1 $0x1;
	[sflag:s19] =	ssyncset.done @!p1 $0x0;
	(pc) =	sbr.rel @p3 .LBB2_2-.Ltmp0, $4  }
0x26: {  	s21 =	simm.s32 @!p1 $0x80;
	[sflag:s19] =	ssyncadd.s32 @!p1 $0xFFFFFFB0;
	s19 =	simm.s32 @!p1 $0x50  }
0x27: {  	[spmem:s2] =	stream.indirect.scatter.add.f32 @!p1 [tilespmem:s21], [sflag:$0x1], $0x80, s18, s19, $0xb8;
	[tilespmem:$0x3880] =	vst v63  }
0x28: {  	s18 =	sadd.s32 s20, s5;
	_ =	swait.ge @!p1 [sflag:s17], $0x2800  }
0x29: {  	s15 =	sadd.s32 $0x140, s15;
	p2 =	sgt.u32 s18, $0x4E1;
	[sflag:s17] =	ssyncset.done @!p1 $0x0  }
0x2a: {  	s16 =	simm.s32 @!p2 $0x0  }
0x2b: {  	s18 =	simm.s32 @!p2 $0x2;
	[sflag:s17] =	ssyncadd.s32 @!p1 $0xFFFFD800;
	p1 =	por p2, p2  }
0x2c: {  	[tilespmem:s16], [sflag:$0x2] =	stream.linear.gather @!p1 [hbm4b:s15+s16], $0x50, $0x38;
	[tilespmem:$0x3880] =	vst v63  }
0x2d: {  	_ =	swait.ge @!p1 [sflag:s18], $0x50  }
0x2e: {  	s15 =	simm.s32 @!p1 $0x1;
	[sflag:s18] =	ssyncset.done @!p1 $0x0  }
0x2f: {  	s17 =	simm.s32 @!p1 $0x50;
	[sflag:s18] =	ssyncadd.s32 @!p1 $0xFFFFFFB0;
	s18 =	simm.s32 @!p1 $0x80  }
0x30: {  	[spmem:s2] =	stream.indirect.scatter.add.f32 @!p1 [tilespmem:s18], [sflag:$0x1], $0x80, s16, s17, $0xb8;
	[tilespmem:$0x3880] =	vst v63  }
0x31: {  	_ =	swait.ge @!p1 [sflag:s15], $0x2800  }
0x32: {  	s14 =	sadd.s32 $0x1, s14;
	[sflag:s15] =	ssyncset.done @!p1 $0x0  }
0x33: {  	[sflag:s15] =	ssyncadd.s32 @!p1 $0xFFFFD800;
	p1 =	sne.s32 s14, s7  }
.Ltmp1:
0x34: {  	[bflag:$0x0] =	sbarrier.arrive $0xFFFF;
	(pc) =	sbr.rel @p1 .LBB2_1-.Ltmp1, $4  }
0x35: {  	[hbm:s6], [sflag:s12] =	dma.local [spmem:s13], $0x200  }
0x36: {  	_ =	swait.ge [sflag:s10], $0x200  }
0x37: {  	[sflag:s10] =	ssyncset.done $0x0  }
0x38: {  	[sflag:s10] =	ssyncadd.s32 $0xFFFFFE00  }
0x39: {  	_ =	sfence.sel $0x180000  }
0x3a: {  	[bflag:$0x0] =	sbarrier.arrive $0xFFFF  }
0x3b: {  	_ =	strace $0x90000047  }
0x3c: {  	s0 =	sadd.s32 @!p0 $0x100000, s0;
	[bflag:$0x2] =	sbarrier.arrive $0xFFFF  }
0x3d: {  	[sflag:s0] =	ssyncadd.tile.s32 @!p0 $0x1;
	_ =	shalt  }
.Lfunc_end2:
_tile_overlayer_lowered:
.L_overlay_start_2:
0x3e: {  	(tag) =	ssettag $0x2  }
0x3f: {  	s0 =	rddreg [dreg:$0x0];
	s2 =	stileid.u32  }
0x40: {  	s1 =	rddreg [dreg:$0x1];
	p0 =	sne.s32 s2, $0x0  }
0x41: {  	s3 =	rddreg [dreg:$0x2];
	[bflag:$0x3] =	sbarrier.arrive $0xFFFF;
	s2 =	simm.s32 @!p0 $0x1C01  }
0x42: {  	[timem:s3], [sflag:s2] =	dma.local @!p0 [hbm:s0], s1  }
0x43: {  	s0 =	simm.s32 @!p0 $0x1  }
0x44: {  	_ =	swait.ge @!p0 [sflag:s0], s1  }
0x45: {  	s1 =	ssub.s32 @!p0 $0x0, s1;
	[sflag:s0] =	ssyncset.done @!p0 $0x0  }
0x46: {  	[sflag:s0] =	ssyncadd.s32 @!p0 s1  }
0x47: {  	[bflag:$0x3] =	sbarrier.arrive $0xFFFF  }
0x48: {  	_ =	shalt  }

</sc_bundles>
